<compile_context>
chip_gen: v7x
topology: tpu7x:2x2x1
jax: 0.10.2.dev20260603
libtpu: 0.0.44.dev20260713+nightly
codegen_flags: <defaults>
</compile_context>

<pallas_src>
import functools

import jax
import jax.numpy as jnp
from jax import lax
from jax.experimental import pallas as pl
from jax.experimental.pallas import tpu as pltpu
from jax.experimental.pallas import tpu_sc as plsc

_N_TOTAL = 100000
_N_REL = 16
_ENT_DIM = 128
_REL_DIM = 64
_B = 4096
_LAM = 1e-05

_GATHER_ROWS = 3 * _B
_NUM_WORKERS = 32
_CHUNK = _B // _NUM_WORKERS

_BLK = 2048
_NB = _B // _BLK
_WCOLS = _N_REL * _REL_DIM


def _sc_gather(table, idx):
    mesh = plsc.VectorSubcoreMesh(core_axis_name="c", subcore_axis_name="s")

    @functools.partial(
        pl.kernel,
        mesh=mesh,
        out_type=jax.ShapeDtypeStruct((_GATHER_ROWS, _ENT_DIM), jnp.float32),
        scratch_types=[
            pltpu.VMEM((3 * _CHUNK,), jnp.int32),
            pltpu.VMEM((3 * _CHUNK, _ENT_DIM), jnp.float32),
            pltpu.SemaphoreType.DMA,
        ],
    )
    def gather_kernel(table_hbm, idx_hbm, out_hbm, idx_v, rows_v, sem):
        wid = lax.axis_index("s") * 2 + lax.axis_index("c")
        base = wid * 3 * _CHUNK
        pltpu.sync_copy(idx_hbm.at[pl.ds(base, 3 * _CHUNK)], idx_v)
        gathers = [
            pltpu.async_copy(
                table_hbm.at[idx_v.at[pl.ds(j * _CHUNK, _CHUNK)]],
                rows_v.at[pl.ds(j * _CHUNK, _CHUNK)],
                sem,
            )
            for j in range(3)
        ]
        for g in gathers:
            g.wait()
        pltpu.sync_copy(rows_v, out_hbm.at[pl.ds(base, 3 * _CHUNK)])

    return gather_kernel(table, idx)


def _tc_body(h_ref, p_ref, n_ref, r_ref, w_ref, rel_ref, s_ref, out_ref):
    g = pl.program_id(0)
    w = w_ref[...]
    hb = h_ref[...].astype(jnp.bfloat16)
    pb = p_ref[...].astype(jnp.bfloat16)
    nb = n_ref[...].astype(jnp.bfloat16)
    ah = jnp.dot(hb, w, preferred_element_type=jnp.float32).astype(jnp.bfloat16)
    ap = jnp.dot(pb, w, preferred_element_type=jnp.float32).astype(jnp.bfloat16)
    an = jnp.dot(nb, w, preferred_element_type=jnp.float32).astype(jnp.bfloat16)
    r_all = rel_ref[...]
    s = s_ref[...]

    s2 = ah + r_all
    d1 = an - ap
    s3 = (s2 + s2) - (ap + an)
    diff16 = jnp.dot(d1 * s3, s,
                     preferred_element_type=jnp.float32)
    t16 = jnp.dot(ah * ah + ap * ap + an * an, s,
                  preferred_element_type=jnp.float32)
    e16 = jnp.dot(r_all * r_all, s,
                  preferred_element_type=jnp.float32)

    rv = r_ref[...]
    cols = lax.broadcasted_iota(jnp.int32, (_BLK, _N_REL), 1)
    m = (rv == cols).astype(jnp.float32)

    x = jnp.sum(m * diff16, axis=1, keepdims=True)
    sp = jnp.maximum(x, 0.0) + jnp.log1p(jnp.exp(-jnp.abs(x)))
    sql2 = jnp.sum(m * (t16 + e16), axis=(0, 1), keepdims=True)
    part = (jnp.sum(sp, axis=(0, 1), keepdims=True)[:, :1]
            + (_LAM * 0.5) * sql2)

    @pl.when(g == 0)
    def _init():
        out_ref[...] = jnp.zeros((1, 1), jnp.float32)

    out_ref[...] = out_ref[...] + part

    @pl.when(g == _NB - 1)
    def _finalize():
        out_ref[...] = out_ref[...] * (1.0 / _B)


def _tc_loss(gathered, r2, w_all, rel_flat, s_mat):
    return pl.pallas_call(
        _tc_body,
        grid=(_NB,),
        in_specs=[
            pl.BlockSpec((_BLK, _ENT_DIM), lambda g: (g, 0)),
            pl.BlockSpec((_BLK, _ENT_DIM), lambda g: (g + _NB, 0)),
            pl.BlockSpec((_BLK, _ENT_DIM), lambda g: (g + 2 * _NB, 0)),
            pl.BlockSpec((_BLK, 1), lambda g: (g, 0)),
            pl.BlockSpec((_ENT_DIM, _WCOLS), lambda g: (0, 0)),
            pl.BlockSpec((1, _WCOLS), lambda g: (0, 0)),
            pl.BlockSpec((_WCOLS, _N_REL), lambda g: (0, 0)),
        ],
        out_specs=pl.BlockSpec((1, 1), lambda g: (0, 0)),
        out_shape=jax.ShapeDtypeStruct((1, 1), jnp.float32),
    )(gathered, gathered, gathered, r2, w_all, rel_flat, s_mat)


def kernel(h, r, pos_t, neg_t, relation_embed, entity_user_embed, W_R):
    idx = jnp.concatenate([h, pos_t, neg_t])
    gathered = _sc_gather(entity_user_embed, idx)
    w_all = jnp.transpose(W_R, (1, 0, 2)).reshape(_ENT_DIM, _WCOLS
                                                  ).astype(jnp.bfloat16)
    rel_flat = relation_embed.reshape(1, _WCOLS).astype(jnp.bfloat16)
    col_ids = jnp.arange(_WCOLS, dtype=jnp.int32) // _REL_DIM
    s_mat = (col_ids[:, None] == jnp.arange(_N_REL, dtype=jnp.int32)[None, :]
             ).astype(jnp.bfloat16)
    r2 = r.reshape(_B, 1)
    out = _tc_loss(gathered, r2, w_all, rel_flat, s_mat)
    return out[0, 0]

# --- scband reference (transcript-rebuilt; emitter-appended) ---
"""Pipeline reference for scband-kgat-81612968559390 (READ-ONLY COPY).

The authoritative reference and input builder live on the scoring server;
editing this copy changes nothing except your own understanding.
"""

import jax, jax.numpy as jnp
import numpy as np

N_ENTITIES = 90000
N_USERS = 10000
N_TOTAL = N_ENTITIES + N_USERS
N_REL = 16
ENT_DIM = 128
REL_DIM = 64
B = 4096
KG_L2_LAMBDA = 1e-05


def _l2_loss_mean(x):
    return jnp.mean(jnp.sum(jnp.square(x), axis=1) / 2.0)


def setup_inputs(seed: int = 0) -> dict:
    key = jax.random.key(seed)
    k1, k2, k3, k4, k5, k6, k7 = jax.random.split(key, 7)
    h = jax.random.randint(k1, (B,), 0, N_TOTAL, dtype=jnp.int32)
    r = jax.random.randint(k2, (B,), 0, N_REL, dtype=jnp.int32)
    pos_t = jax.random.randint(k3, (B,), 0, N_TOTAL, dtype=jnp.int32)
    neg_t = jax.random.randint(k4, (B,), 0, N_TOTAL, dtype=jnp.int32)
    relation_embed = jax.random.normal(k5, (N_REL, REL_DIM), dtype=jnp.float32) * 0.02
    entity_user_embed = jax.random.normal(k6, (N_TOTAL, ENT_DIM), dtype=jnp.float32) * 0.02
    W_R = jax.random.normal(k7, (N_REL, ENT_DIM, REL_DIM), dtype=jnp.float32) * (1.0 / np.sqrt(ENT_DIM))
    return {"h": h, "r": r, "pos_t": pos_t, "neg_t": neg_t,
            "relation_embed": relation_embed,
            "entity_user_embed": entity_user_embed,
            "W_R": W_R}


def reference(h, r, pos_t, neg_t, relation_embed, entity_user_embed, W_R):
    # KGAT.calc_kg_loss
    r_embed = jnp.take(relation_embed, r, axis=0)          # (B, REL_DIM)
    W_r = jnp.take(W_R, r, axis=0)                          # (B, ENT_DIM, REL_DIM)
    h_embed = jnp.take(entity_user_embed, h, axis=0)        # (B, ENT_DIM)
    pos_t_embed = jnp.take(entity_user_embed, pos_t, axis=0)
    neg_t_embed = jnp.take(entity_user_embed, neg_t, axis=0)

    # torch.bmm(x.unsqueeze(1), W_r).squeeze(1)
    r_mul_h = jnp.einsum('bi,bij->bj', h_embed, W_r)
    r_mul_pos_t = jnp.einsum('bi,bij->bj', pos_t_embed, W_r)
    r_mul_neg_t = jnp.einsum('bi,bij->bj', neg_t_embed, W_r)

    pos_score = jnp.sum(jnp.square(r_mul_h + r_embed - r_mul_pos_t), axis=1)
    neg_score = jnp.sum(jnp.square(r_mul_h + r_embed - r_mul_neg_t), axis=1)

    kg_loss = jnp.mean(-1.0 * jax.nn.log_sigmoid(neg_score - pos_score))
    l2_loss = (_l2_loss_mean(r_mul_h) + _l2_loss_mean(r_embed)
               + _l2_loss_mean(r_mul_pos_t) + _l2_loss_mean(r_mul_neg_t))
    loss = kg_loss + KG_L2_LAMBDA * l2_loss
    return loss

if __name__ == "__main__":
    import jax
    _d = setup_inputs()
    print(jax.jit(kernel)(*tuple(_d.values())))

</pallas_src>

<mosaic_0001>
#map = affine_map<(d0, d1) -> (0, 0)>
#map1 = affine_map<(d0, d1) -> (0)>
module attributes {stable_mosaic.version = 14 : i64} {
  func.func @gather_kernel(%arg0: i32, %arg1: i32, %arg2: memref<100000x128xf32, #tpu.memory_space<hbm>>, %arg3: memref<12288xi32, #tpu.memory_space<hbm>>, %arg4: memref<12288x128xf32, #tpu.memory_space<hbm>>, %arg5: memref<384xi32, #tpu.memory_space<vmem>>, %arg6: memref<384x128xf32, #tpu.memory_space<vmem>>, %arg7: memref<!tpu.dma_semaphore, #tpu.memory_space<semaphore_mem>>) attributes {dimension_semantics = [#tpu.dimension_semantics<core_parallel>, #tpu.dimension_semantics<subcore_parallel>], iteration_bounds = array<i64: 2, 16>, scalar_prefetch = 0 : i64, scratch_operands = 3 : i64, tpu.core_type = #tpu.core_type<sc_vector_subcore>, window_params = [{transform_indices = #map}, {transform_indices = #map1}, {transform_indices = #map}]} {
    %mul3A = arith.constant 2 : i32
    %mul3A_0 = arith.muli %arg1, %mul3A : i32
    %add3A = arith.addi %mul3A_0, %arg0 : i32
    %mul3A_1 = arith.constant 3 : i32
    %mul3A_2 = arith.muli %add3A, %mul3A_1 : i32
    %mul3A_3 = arith.constant 128 : i32
    %mul3A_4 = arith.muli %mul3A_2, %mul3A_3 : i32
    "tpu.region"() ({
      %run_scoped3A = tpu.sem_alloc : memref<!tpu.dma_semaphore, #tpu.memory_space<semaphore_mem>>
      %dma_start3A_51 = tpu.memref_slice %arg3[%mul3A_4] : memref<12288xi32, #tpu.memory_space<hbm>> -> memref<384xi32, #tpu.memory_space<hbm>>
      %dma_start3A_52 = tpu.memref_slice %arg3[%mul3A_4] : memref<12288xi32, #tpu.memory_space<hbm>> -> memref<384xi32, #tpu.memory_space<hbm>>
      tpu.enqueue_dma source(%dma_start3A_52 : memref<384xi32, #tpu.memory_space<hbm>>) target(%arg5 : memref<384xi32, #tpu.memory_space<vmem>>) target_semaphore(%run_scoped3A : memref<!tpu.dma_semaphore, #tpu.memory_space<semaphore_mem>>)
      %dma_wait3A_53 = tpu.memref_slice %arg3[%mul3A_4] : memref<12288xi32, #tpu.memory_space<hbm>> -> memref<384xi32, #tpu.memory_space<hbm>>
      %dma_wait3A_54 = tpu.memref_slice %arg3[%mul3A_4] : memref<12288xi32, #tpu.memory_space<hbm>> -> memref<384xi32, #tpu.memory_space<hbm>>
      tpu.wait_dma2 semaphore(%run_scoped3A : memref<!tpu.dma_semaphore, #tpu.memory_space<semaphore_mem>>) src(%dma_wait3A_54 : memref<384xi32, #tpu.memory_space<hbm>>) dst(%arg5 : memref<384xi32, #tpu.memory_space<vmem>>)
      tpu.yield
    }) : () -> ()
    %dma_start3A = arith.constant 0 : i32
    %dma_start3A_5 = arith.constant 0 : i32
    %dma_start3A_6 = tpu.memref_slice %arg6[%dma_start3A, %dma_start3A_5] : memref<384x128xf32, #tpu.memory_space<vmem>> -> memref<128x128xf32, #tpu.memory_space<vmem>>
    %dma_start3A_7 = arith.constant 0 : i32
    %dma_start3A_8 = tpu.memref_slice %arg5[%dma_start3A_7] : memref<384xi32, #tpu.memory_space<vmem>> -> memref<128xi32, #tpu.memory_space<vmem>>
    %dma_start3A_9 = arith.constant 0 : i32
    %dma_start3A_10 = arith.constant 0 : i32
    %dma_start3A_11 = tpu.memref_slice %arg2[%dma_start3A_9, %dma_start3A_10] : memref<100000x128xf32, #tpu.memory_space<hbm>> -> memref<100000x128xf32, #tpu.memory_space<hbm>>
    tpu.enqueue_indirect_dma source(%dma_start3A_11 : memref<100000x128xf32, #tpu.memory_space<hbm>>) target(%dma_start3A_6 : memref<128x128xf32, #tpu.memory_space<vmem>>) offsets(%dma_start3A_8 : memref<128xi32, #tpu.memory_space<vmem>>) semaphore(%arg7 : memref<!tpu.dma_semaphore, #tpu.memory_space<semaphore_mem>>)
    %dma_start3A_12 = arith.constant 128 : i32
    %dma_start3A_13 = arith.constant 0 : i32
    %dma_start3A_14 = tpu.memref_slice %arg6[%dma_start3A_12, %dma_start3A_13] : memref<384x128xf32, #tpu.memory_space<vmem>> -> memref<128x128xf32, #tpu.memory_space<vmem>>
    %dma_start3A_15 = arith.constant 128 : i32
    %dma_start3A_16 = tpu.memref_slice %arg5[%dma_start3A_15] : memref<384xi32, #tpu.memory_space<vmem>> -> memref<128xi32, #tpu.memory_space<vmem>>
    %dma_start3A_17 = arith.constant 0 : i32
    %dma_start3A_18 = arith.constant 0 : i32
    %dma_start3A_19 = tpu.memref_slice %arg2[%dma_start3A_17, %dma_start3A_18] : memref<100000x128xf32, #tpu.memory_space<hbm>> -> memref<100000x128xf32, #tpu.memory_space<hbm>>
    tpu.enqueue_indirect_dma source(%dma_start3A_19 : memref<100000x128xf32, #tpu.memory_space<hbm>>) target(%dma_start3A_14 : memref<128x128xf32, #tpu.memory_space<vmem>>) offsets(%dma_start3A_16 : memref<128xi32, #tpu.memory_space<vmem>>) semaphore(%arg7 : memref<!tpu.dma_semaphore, #tpu.memory_space<semaphore_mem>>)
    %dma_start3A_20 = arith.constant 256 : i32
    %dma_start3A_21 = arith.constant 0 : i32
    %dma_start3A_22 = tpu.memref_slice %arg6[%dma_start3A_20, %dma_start3A_21] : memref<384x128xf32, #tpu.memory_space<vmem>> -> memref<128x128xf32, #tpu.memory_space<vmem>>
    %dma_start3A_23 = arith.constant 256 : i32
    %dma_start3A_24 = tpu.memref_slice %arg5[%dma_start3A_23] : memref<384xi32, #tpu.memory_space<vmem>> -> memref<128xi32, #tpu.memory_space<vmem>>
    %dma_start3A_25 = arith.constant 0 : i32
    %dma_start3A_26 = arith.constant 0 : i32
    %dma_start3A_27 = tpu.memref_slice %arg2[%dma_start3A_25, %dma_start3A_26] : memref<100000x128xf32, #tpu.memory_space<hbm>> -> memref<100000x128xf32, #tpu.memory_space<hbm>>
    tpu.enqueue_indirect_dma source(%dma_start3A_27 : memref<100000x128xf32, #tpu.memory_space<hbm>>) target(%dma_start3A_22 : memref<128x128xf32, #tpu.memory_space<vmem>>) offsets(%dma_start3A_24 : memref<128xi32, #tpu.memory_space<vmem>>) semaphore(%arg7 : memref<!tpu.dma_semaphore, #tpu.memory_space<semaphore_mem>>)
    %dma_wait3A = arith.constant 0 : i32
    %dma_wait3A_28 = arith.constant 0 : i32
    %dma_wait3A_29 = tpu.memref_slice %arg6[%dma_wait3A, %dma_wait3A_28] : memref<384x128xf32, #tpu.memory_space<vmem>> -> memref<128x128xf32, #tpu.memory_space<vmem>>
    %dma_wait3A_30 = arith.constant 0 : i32
    %dma_wait3A_31 = tpu.memref_slice %arg5[%dma_wait3A_30] : memref<384xi32, #tpu.memory_space<vmem>> -> memref<128xi32, #tpu.memory_space<vmem>>
    %dma_wait3A_32 = arith.constant 0 : i32
    %dma_wait3A_33 = arith.constant 0 : i32
    %dma_wait3A_34 = tpu.memref_slice %arg2[%dma_wait3A_32, %dma_wait3A_33] : memref<100000x128xf32, #tpu.memory_space<hbm>> -> memref<100000x128xf32, #tpu.memory_space<hbm>>
    tpu.wait_indirect_dma semaphore(%arg7 : memref<!tpu.dma_semaphore, #tpu.memory_space<semaphore_mem>>) src(%dma_wait3A_34 : memref<100000x128xf32, #tpu.memory_space<hbm>>) dst(%dma_wait3A_29 : memref<128x128xf32, #tpu.memory_space<vmem>>)
    %dma_wait3A_35 = arith.constant 128 : i32
    %dma_wait3A_36 = arith.constant 0 : i32
    %dma_wait3A_37 = tpu.memref_slice %arg6[%dma_wait3A_35, %dma_wait3A_36] : memref<384x128xf32, #tpu.memory_space<vmem>> -> memref<128x128xf32, #tpu.memory_space<vmem>>
    %dma_wait3A_38 = arith.constant 128 : i32
    %dma_wait3A_39 = tpu.memref_slice %arg5[%dma_wait3A_38] : memref<384xi32, #tpu.memory_space<vmem>> -> memref<128xi32, #tpu.memory_space<vmem>>
    %dma_wait3A_40 = arith.constant 0 : i32
    %dma_wait3A_41 = arith.constant 0 : i32
    %dma_wait3A_42 = tpu.memref_slice %arg2[%dma_wait3A_40, %dma_wait3A_41] : memref<100000x128xf32, #tpu.memory_space<hbm>> -> memref<100000x128xf32, #tpu.memory_space<hbm>>
    tpu.wait_indirect_dma semaphore(%arg7 : memref<!tpu.dma_semaphore, #tpu.memory_space<semaphore_mem>>) src(%dma_wait3A_42 : memref<100000x128xf32, #tpu.memory_space<hbm>>) dst(%dma_wait3A_37 : memref<128x128xf32, #tpu.memory_space<vmem>>)
    %dma_wait3A_43 = arith.constant 256 : i32
    %dma_wait3A_44 = arith.constant 0 : i32
    %dma_wait3A_45 = tpu.memref_slice %arg6[%dma_wait3A_43, %dma_wait3A_44] : memref<384x128xf32, #tpu.memory_space<vmem>> -> memref<128x128xf32, #tpu.memory_space<vmem>>
    %dma_wait3A_46 = arith.constant 256 : i32
    %dma_wait3A_47 = tpu.memref_slice %arg5[%dma_wait3A_46] : memref<384xi32, #tpu.memory_space<vmem>> -> memref<128xi32, #tpu.memory_space<vmem>>
    %dma_wait3A_48 = arith.constant 0 : i32
    %dma_wait3A_49 = arith.constant 0 : i32
    %dma_wait3A_50 = tpu.memref_slice %arg2[%dma_wait3A_48, %dma_wait3A_49] : memref<100000x128xf32, #tpu.memory_space<hbm>> -> memref<100000x128xf32, #tpu.memory_space<hbm>>
    tpu.wait_indirect_dma semaphore(%arg7 : memref<!tpu.dma_semaphore, #tpu.memory_space<semaphore_mem>>) src(%dma_wait3A_50 : memref<100000x128xf32, #tpu.memory_space<hbm>>) dst(%dma_wait3A_45 : memref<128x128xf32, #tpu.memory_space<vmem>>)
    "tpu.region"() ({
      %run_scoped3A = tpu.sem_alloc : memref<!tpu.dma_semaphore, #tpu.memory_space<semaphore_mem>>
      %dma_start3A_51 = arith.constant 0 : i32
      %dma_start3A_52 = tpu.memref_slice %arg4[%mul3A_4, %dma_start3A_51] : memref<12288x128xf32, #tpu.memory_space<hbm>> -> memref<384x128xf32, #tpu.memory_space<hbm>>
      %dma_start3A_53 = arith.constant 0 : i32
      %dma_start3A_54 = tpu.memref_slice %arg4[%mul3A_4, %dma_start3A_53] : memref<12288x128xf32, #tpu.memory_space<hbm>> -> memref<384x128xf32, #tpu.memory_space<hbm>>
      tpu.enqueue_dma source(%arg6 : memref<384x128xf32, #tpu.memory_space<vmem>>) target(%dma_start3A_54 : memref<384x128xf32, #tpu.memory_space<hbm>>) target_semaphore(%run_scoped3A : memref<!tpu.dma_semaphore, #tpu.memory_space<semaphore_mem>>)
      %dma_wait3A_55 = arith.constant 0 : i32
      %dma_wait3A_56 = tpu.memref_slice %arg4[%mul3A_4, %dma_wait3A_55] : memref<12288x128xf32, #tpu.memory_space<hbm>> -> memref<384x128xf32, #tpu.memory_space<hbm>>
      %dma_wait3A_57 = arith.constant 0 : i32
      %dma_wait3A_58 = tpu.memref_slice %arg4[%mul3A_4, %dma_wait3A_57] : memref<12288x128xf32, #tpu.memory_space<hbm>> -> memref<384x128xf32, #tpu.memory_space<hbm>>
      tpu.wait_dma2 semaphore(%run_scoped3A : memref<!tpu.dma_semaphore, #tpu.memory_space<semaphore_mem>>) src(%arg6 : memref<384x128xf32, #tpu.memory_space<vmem>>) dst(%dma_wait3A_58 : memref<384x128xf32, #tpu.memory_space<hbm>>)
      tpu.yield
    }) : () -> ()
    return
  }
}

module attributes {stable_mosaic.version = 14 : i64} {
  func.func @_tc_body(%arg0: i32, %arg1: memref<2048x128xf32, #tpu.memory_space<vmem>>, %arg2: memref<2048x128xf32, #tpu.memory_space<vmem>>, %arg3: memref<2048x128xf32, #tpu.memory_space<vmem>>, %arg4: memref<2048x1xi32, #tpu.memory_space<vmem>>, %arg5: memref<128x1024xbf16, #tpu.memory_space<vmem>>, %arg6: memref<1x1024xbf16, #tpu.memory_space<vmem>>, %arg7: memref<1024x16xbf16, #tpu.memory_space<vmem>>, %arg8: memref<1x1xf32, #tpu.memory_space<vmem>>) attributes {dimension_semantics = [#tpu.dimension_semantics<arbitrary>], iteration_bounds = array<i64: 2>, scalar_prefetch = 0 : i64, scratch_operands = 0 : i64, tpu.core_type = #tpu.core_type<tc>, window_params = [{transform_indices = @transform_0, window_bounds = array<i64: 2048, 128>}, {transform_indices = @transform_1, window_bounds = array<i64: 2048, 128>}, {transform_indices = @transform_2, window_bounds = array<i64: 2048, 128>}, {transform_indices = @transform_3, window_bounds = array<i64: 2048, 1>}, {pipeline_mode = #tpu.pipeline_mode<synchronous>, transform_indices = @transform_4, window_bounds = array<i64: 128, 1024>}, {pipeline_mode = #tpu.pipeline_mode<synchronous>, transform_indices = @transform_5, window_bounds = array<i64: 1, 1024>}, {pipeline_mode = #tpu.pipeline_mode<synchronous>, transform_indices = @transform_6, window_bounds = array<i64: 1024, 16>}, {pipeline_mode = #tpu.pipeline_mode<synchronous>, transform_indices = @transform_7, window_bounds = array<i64: 1, 1>}]} {
    %get3A = arith.constant 0 : index
    %get3A_0 = arith.constant 0 : index
    %get3A_1 = vector.load %arg5[%get3A, %get3A_0] : memref<128x1024xbf16, #tpu.memory_space<vmem>>, vector<128x1024xbf16>
    %get3A_2 = arith.constant 0 : index
    %get3A_3 = arith.constant 0 : index
    %get3A_4 = vector.load %arg1[%get3A_2, %get3A_3] : memref<2048x128xf32, #tpu.memory_space<vmem>>, vector<2048x128xf32>
    %convert_element_type3A = arith.truncf %get3A_4 : vector<2048x128xf32> to vector<2048x128xbf16>
    %get3A_5 = arith.constant 0 : index
    %get3A_6 = arith.constant 0 : index
    %get3A_7 = vector.load %arg2[%get3A_5, %get3A_6] : memref<2048x128xf32, #tpu.memory_space<vmem>>, vector<2048x128xf32>
    %convert_element_type3A_8 = arith.truncf %get3A_7 : vector<2048x128xf32> to vector<2048x128xbf16>
    %get3A_9 = arith.constant 0 : index
    %get3A_10 = arith.constant 0 : index
    %get3A_11 = vector.load %arg3[%get3A_9, %get3A_10] : memref<2048x128xf32, #tpu.memory_space<vmem>>, vector<2048x128xf32>
    %convert_element_type3A_12 = arith.truncf %get3A_11 : vector<2048x128xf32> to vector<2048x128xbf16>
    %dot_general3A = arith.constant dense<0.000000e+00> : vector<2048x1024xf32>
    %dot_general3A_13 = tpu.matmul %convert_element_type3A, %get3A_1, %dot_general3A {dimension_numbers = #tpu.dot_dimension_numbers<[1], [0], [0], [1], [0, 0, 1, 1], [], []>, transpose_lhs_hint = false} : vector<2048x128xbf16>, vector<128x1024xbf16>, vector<2048x1024xf32> -> vector<2048x1024xf32>
    %convert_element_type3A_14 = arith.truncf %dot_general3A_13 : vector<2048x1024xf32> to vector<2048x1024xbf16>
    %dot_general3A_15 = arith.constant dense<0.000000e+00> : vector<2048x1024xf32>
    %dot_general3A_16 = tpu.matmul %convert_element_type3A_8, %get3A_1, %dot_general3A_15 {dimension_numbers = #tpu.dot_dimension_numbers<[1], [0], [0], [1], [0, 0, 1, 1], [], []>, transpose_lhs_hint = false} : vector<2048x128xbf16>, vector<128x1024xbf16>, vector<2048x1024xf32> -> vector<2048x1024xf32>
    %convert_element_type3A_17 = arith.truncf %dot_general3A_16 : vector<2048x1024xf32> to vector<2048x1024xbf16>
    %dot_general3A_18 = arith.constant dense<0.000000e+00> : vector<2048x1024xf32>
    %dot_general3A_19 = tpu.matmul %convert_element_type3A_12, %get3A_1, %dot_general3A_18 {dimension_numbers = #tpu.dot_dimension_numbers<[1], [0], [0], [1], [0, 0, 1, 1], [], []>, transpose_lhs_hint = false} : vector<2048x128xbf16>, vector<128x1024xbf16>, vector<2048x1024xf32> -> vector<2048x1024xf32>
    %convert_element_type3A_20 = arith.truncf %dot_general3A_19 : vector<2048x1024xf32> to vector<2048x1024xbf16>
    %get3A_21 = arith.constant 0 : index
    %get3A_22 = arith.constant 0 : index
    %get3A_23 = vector.load %arg6[%get3A_21, %get3A_22] : memref<1x1024xbf16, #tpu.memory_space<vmem>>, vector<1x1024xbf16>
    %get3A_24 = arith.constant 0 : index
    %get3A_25 = arith.constant 0 : index
    %get3A_26 = vector.load %arg7[%get3A_24, %get3A_25] : memref<1024x16xbf16, #tpu.memory_space<vmem>>, vector<1024x16xbf16>
    %add3A = vector.broadcast %get3A_23 : vector<1x1024xbf16> to vector<2048x1024xbf16>
    %add3A_27 = arith.addf %convert_element_type3A_14, %add3A : vector<2048x1024xbf16>
    %sub3A = arith.subf %convert_element_type3A_20, %convert_element_type3A_17 : vector<2048x1024xbf16>
    %add3A_28 = arith.addf %add3A_27, %add3A_27 : vector<2048x1024xbf16>
    %add3A_29 = arith.addf %convert_element_type3A_17, %convert_element_type3A_20 : vector<2048x1024xbf16>
    %sub3A_30 = arith.subf %add3A_28, %add3A_29 : vector<2048x1024xbf16>
    %mul3A = arith.mulf %sub3A, %sub3A_30 : vector<2048x1024xbf16>
    %dot_general3A_31 = arith.constant dense<0.000000e+00> : vector<2048x16xf32>
    %dot_general3A_32 = tpu.matmul %mul3A, %get3A_26, %dot_general3A_31 {dimension_numbers = #tpu.dot_dimension_numbers<[1], [0], [0], [1], [0, 0, 1, 1], [], []>, transpose_lhs_hint = false} : vector<2048x1024xbf16>, vector<1024x16xbf16>, vector<2048x16xf32> -> vector<2048x16xf32>
    %mul3A_33 = arith.mulf %convert_element_type3A_14, %convert_element_type3A_14 : vector<2048x1024xbf16>
    %mul3A_34 = arith.mulf %convert_element_type3A_17, %convert_element_type3A_17 : vector<2048x1024xbf16>
    %add3A_35 = arith.addf %mul3A_33, %mul3A_34 : vector<2048x1024xbf16>
    %mul3A_36 = arith.mulf %convert_element_type3A_20, %convert_element_type3A_20 : vector<2048x1024xbf16>
    %add3A_37 = arith.addf %add3A_35, %mul3A_36 : vector<2048x1024xbf16>
    %dot_general3A_38 = arith.constant dense<0.000000e+00> : vector<2048x16xf32>
    %dot_general3A_39 = tpu.matmul %add3A_37, %get3A_26, %dot_general3A_38 {dimension_numbers = #tpu.dot_dimension_numbers<[1], [0], [0], [1], [0, 0, 1, 1], [], []>, transpose_lhs_hint = false} : vector<2048x1024xbf16>, vector<1024x16xbf16>, vector<2048x16xf32> -> vector<2048x16xf32>
    %mul3A_40 = arith.mulf %get3A_23, %get3A_23 : vector<1x1024xbf16>
    %dot_general3A_41 = arith.constant dense<0.000000e+00> : vector<1x16xf32>
    %dot_general3A_42 = tpu.matmul %mul3A_40, %get3A_26, %dot_general3A_41 {dimension_numbers = #tpu.dot_dimension_numbers<[1], [0], [0], [1], [0, 0, 1, 1], [], []>, transpose_lhs_hint = false} : vector<1x1024xbf16>, vector<1024x16xbf16>, vector<1x16xf32> -> vector<1x16xf32>
    %get3A_43 = arith.constant 0 : index
    %get3A_44 = arith.constant 0 : index
    %get3A_45 = vector.load %arg4[%get3A_43, %get3A_44] : memref<2048x1xi32, #tpu.memory_space<vmem>>, vector<2048x1xi32>
    %iota3A = tpu.iota {dimensions = array<i32: 1>} : vector<2048x16xi32>
    %eq3A = vector.broadcast %get3A_45 : vector<2048x1xi32> to vector<2048x16xi32>
    %eq3A_46 = arith.cmpi eq, %eq3A, %iota3A : vector<2048x16xi32>
    %convert_element_type3A_47 = arith.extui %eq3A_46 : vector<2048x16xi1> to vector<2048x16xi32>
    %convert_element_type3A_48 = arith.sitofp %convert_element_type3A_47 : vector<2048x16xi32> to vector<2048x16xf32>
    %mul3A_49 = arith.mulf %convert_element_type3A_48, %dot_general3A_32 : vector<2048x16xf32>
    %reduce_sum3A = arith.constant dense<0.000000e+00> : vector<2048xf32>
    %reduce_sum3A_50 = vector.multi_reduction <add>, %mul3A_49, %reduce_sum3A [1] : vector<2048x16xf32> to vector<2048xf32>
    %broadcast_in_dim3A = vector.shape_cast %reduce_sum3A_50 : vector<2048xf32> to vector<2048x1xf32>
    %max3A = arith.constant 0.000000e+00 : f32
    %max3A_51 = vector.broadcast %max3A : f32 to vector<2048x1xf32>
    %max3A_52 = arith.maximumf %broadcast_in_dim3A, %max3A_51 : vector<2048x1xf32>
    %abs3A = math.absf %broadcast_in_dim3A : vector<2048x1xf32>
    %neg3A = arith.constant 0.000000e+00 : f32
    %neg3A_53 = vector.broadcast %neg3A : f32 to vector<2048x1xf32>
    %neg3A_54 = arith.subf %neg3A_53, %abs3A : vector<2048x1xf32>
    %exp3A = math.exp %neg3A_54 : vector<2048x1xf32>
    %log1p3A = math.log1p %exp3A : vector<2048x1xf32>
    %add3A_55 = arith.addf %max3A_52, %log1p3A : vector<2048x1xf32>
    %add3A_56 = vector.broadcast %dot_general3A_42 : vector<1x16xf32> to vector<2048x16xf32>
    %add3A_57 = arith.addf %dot_general3A_39, %add3A_56 : vector<2048x16xf32>
    %mul3A_58 = arith.mulf %convert_element_type3A_48, %add3A_57 : vector<2048x16xf32>
    %reduce_sum3A_59 = vector.shape_cast %mul3A_58 : vector<2048x16xf32> to vector<1x2048x16xf32>
    %reduce_sum3A_60 = arith.constant dense<0.000000e+00> : vector<1xf32>
    %reduce_sum3A_61 = vector.multi_reduction <add>, %reduce_sum3A_59, %reduce_sum3A_60 [1, 2] : vector<1x2048x16xf32> to vector<1xf32>
    %reduce_sum3A_62 = vector.shape_cast %reduce_sum3A_61 : vector<1xf32> to vector<1x1x1xf32>
    %reduce_sum3A_63 = vector.extract %reduce_sum3A_62[0, 0, 0] : f32 from vector<1x1x1xf32>
    %broadcast_in_dim3A_64 = vector.broadcast %reduce_sum3A_63 : f32 to vector<1x1xf32>
    %reduce_sum3A_65 = vector.shape_cast %add3A_55 : vector<2048x1xf32> to vector<1x2048x1xf32>
    %reduce_sum3A_66 = arith.constant dense<0.000000e+00> : vector<1xf32>
    %reduce_sum3A_67 = vector.multi_reduction <add>, %reduce_sum3A_65, %reduce_sum3A_66 [1, 2] : vector<1x2048x1xf32> to vector<1xf32>
    %reduce_sum3A_68 = vector.shape_cast %reduce_sum3A_67 : vector<1xf32> to vector<1x1x1xf32>
    %reduce_sum3A_69 = vector.extract %reduce_sum3A_68[0, 0, 0] : f32 from vector<1x1x1xf32>
    %broadcast_in_dim3A_70 = vector.broadcast %reduce_sum3A_69 : f32 to vector<1x1xf32>
    %mul3A_71 = arith.constant 5.000000e-06 : f32
    %mul3A_72 = vector.broadcast %mul3A_71 : f32 to vector<1x1xf32>
    %mul3A_73 = arith.mulf %mul3A_72, %broadcast_in_dim3A_64 : vector<1x1xf32>
    %add3A_74 = arith.addf %broadcast_in_dim3A_70, %mul3A_73 : vector<1x1xf32>
    %eq3A_75 = arith.constant 0 : i32
    %eq3A_76 = arith.cmpi eq, %arg0, %eq3A_75 : i32
    %convert_element_type3A_77 = arith.extui %eq3A_76 : i1 to i32
    %cond3A = arith.constant 0 : i32
    %cond3A_78 = arith.cmpi ne, %convert_element_type3A_77, %cond3A : i32
    scf.if %cond3A_78 {
      %broadcast_in_dim3A_90 = arith.constant 0.000000e+00 : f32
      %broadcast_in_dim3A_91 = vector.broadcast %broadcast_in_dim3A_90 : f32 to vector<1x1xf32>
      %swap3A_92 = arith.constant 0 : index
      %swap3A_93 = arith.constant 0 : index
      %swap3A_94 = vector.load %arg8[%swap3A_92, %swap3A_93] : memref<1x1xf32, #tpu.memory_space<vmem>>, vector<1x1xf32>
      tpu.vector_store %arg8[%swap3A_92, %swap3A_93], %broadcast_in_dim3A_91 {strides = array<i32>} : memref<1x1xf32, #tpu.memory_space<vmem>>, vector<1x1xf32>,
    } else {
    }
    %get3A_79 = arith.constant 0 : index
    %get3A_80 = arith.constant 0 : index
    %get3A_81 = vector.load %arg8[%get3A_79, %get3A_80] : memref<1x1xf32, #tpu.memory_space<vmem>>, vector<1x1xf32>
    %add3A_82 = arith.addf %get3A_81, %add3A_74 : vector<1x1xf32>
    %swap3A = arith.constant 0 : index
    %swap3A_83 = arith.constant 0 : index
    %swap3A_84 = vector.load %arg8[%swap3A, %swap3A_83] : memref<1x1xf32, #tpu.memory_space<vmem>>, vector<1x1xf32>
    tpu.vector_store %arg8[%swap3A, %swap3A_83], %add3A_82 {strides = array<i32>} : memref<1x1xf32, #tpu.memory_space<vmem>>, vector<1x1xf32>,
    %eq3A_85 = arith.constant 1 : i32
    %eq3A_86 = arith.cmpi eq, %arg0, %eq3A_85 : i32
    %convert_element_type3A_87 = arith.extui %eq3A_86 : i1 to i32
    %cond3A_88 = arith.constant 0 : i32
    %cond3A_89 = arith.cmpi ne, %convert_element_type3A_87, %cond3A_88 : i32
    scf.if %cond3A_89 {
      %get3A_90 = arith.constant 0 : index
      %get3A_91 = arith.constant 0 : index
      %get3A_92 = vector.load %arg8[%get3A_90, %get3A_91] : memref<1x1xf32, #tpu.memory_space<vmem>>, vector<1x1xf32>
      %mul3A_93 = arith.constant 2.44140625E-4 : f32
      %mul3A_94 = vector.broadcast %mul3A_93 : f32 to vector<1x1xf32>
      %mul3A_95 = arith.mulf %get3A_92, %mul3A_94 : vector<1x1xf32>
      %swap3A_96 = arith.constant 0 : index
      %swap3A_97 = arith.constant 0 : index
      %swap3A_98 = vector.load %arg8[%swap3A_96, %swap3A_97] : memref<1x1xf32, #tpu.memory_space<vmem>>, vector<1x1xf32>
      tpu.vector_store %arg8[%swap3A_96, %swap3A_97], %mul3A_95 {strides = array<i32>} : memref<1x1xf32, #tpu.memory_space<vmem>>, vector<1x1xf32>,
    } else {
    }
    return
  }
  func.func @transform_0(%arg0: i32) -> (i32, i32) {
    %c0_i32 = arith.constant 0 : i32
    %c0_i32_0 = arith.constant 0 : i32
    return %arg0, %c0_i32 : i32, i32
  }
  func.func @transform_1(%arg0: i32) -> (i32, i32) {
    %add3A = arith.constant 2 : i32
    %add3A_0 = arith.addi %arg0, %add3A : i32
    %c0_i32 = arith.constant 0 : i32
    %c0_i32_1 = arith.constant 0 : i32
    return %add3A_0, %c0_i32 : i32, i32
  }
  func.func @transform_2(%arg0: i32) -> (i32, i32) {
    %add3A = arith.constant 4 : i32
    %add3A_0 = arith.addi %arg0, %add3A : i32
    %c0_i32 = arith.constant 0 : i32
    %c0_i32_1 = arith.constant 0 : i32
    return %add3A_0, %c0_i32 : i32, i32
  }
  func.func @transform_3(%arg0: i32) -> (i32, i32) {
    %c0_i32 = arith.constant 0 : i32
    %c0_i32_0 = arith.constant 0 : i32
    return %arg0, %c0_i32 : i32, i32
  }
  func.func @transform_4(%arg0: i32) -> (i32, i32) {
    %c0_i32 = arith.constant 0 : i32
    %c0_i32_0 = arith.constant 0 : i32
    %c0_i32_1 = arith.constant 0 : i32
    return %c0_i32, %c0_i32_0 : i32, i32
  }
  func.func @transform_5(%arg0: i32) -> (i32, i32) {
    %c0_i32 = arith.constant 0 : i32
    %c0_i32_0 = arith.constant 0 : i32
    %c0_i32_1 = arith.constant 0 : i32
    return %c0_i32, %c0_i32_0 : i32, i32
  }
  func.func @transform_6(%arg0: i32) -> (i32, i32) {
    %c0_i32 = arith.constant 0 : i32
    %c0_i32_0 = arith.constant 0 : i32
    %c0_i32_1 = arith.constant 0 : i32
    return %c0_i32, %c0_i32_0 : i32, i32
  }
  func.func @transform_7(%arg0: i32) -> (i32, i32) {
    %c0_i32 = arith.constant 0 : i32
    %c0_i32_0 = arith.constant 0 : i32
    %c0_i32_1 = arith.constant 0 : i32
    return %c0_i32, %c0_i32_0 : i32, i32
  }
}

</mosaic_0001>

<sc_bundles>
// kernel: kernel.4.cloned.1.call-start
scs
__scs_entry_jumppad:
0x0: {  	(pc) =	sbr.rel $0x88, $3  }
0x1: {  	(tag) =	ssettag $0x0;
	lr =	simm.s32 $0x1  }
0x2: {  	[smem:$0x3F9A] =	sst lr;
	_ =	strace $0xD0000000  }
0x3: {  	_ = 	snop  }
0x4: {  	_ = 	snop  }
0x5: {  	_ = 	snop  }
0x6: {  	_ = 	snop  }
0x7: {  	_ = 	snop  }
__scs_overlays_trampoline_lowered:
0x8: {  	[smem:$0x3FA9] =	sst s0  }
0x9: {  	[smem:$0x3FAA] =	sst s1  }
0xa: {  	[smem:$0x3FAB] =	sst s2  }
0xb: {  	[smem:$0x3FAC] =	sst s3  }
0xc: {  	[smem:$0x3FAD] =	sst s4  }
0xd: {  	[smem:$0x3FAE] =	sst s5  }
0xe: {  	[smem:$0x3FAF] =	sst s6  }
0xf: {  	[smem:$0x3FB0] =	sst s7  }
0x10: {  	[smem:$0x3FB1] =	sst s8  }
0x11: {  	[smem:$0x3FB2] =	sst s9;
	s0 =	simm.s32 @!p0 $0x0  }
0x12: {  	s1 =	sld [smem:$0x3F98];
	s0 =	simm.s32 @p0 $0x1  }
0x13: {  	[smem:$0x3FB3] =	sst s0;
	s0 =	simm.s32 @!p1 $0x0  }
0x14: {  	s2 =	sld [smem:$0x3F97];
	s0 =	simm.s32 @p1 $0x1  }
0x15: {  	[smem:$0x3FB4] =	sst s0;
	s0 =	simm.s32 @!p2 $0x0  }
0x16: {  	s3 =	sld [smem:$0x3FDB];
	s0 =	simm.s32 @p2 $0x1  }
0x17: {  	s4 =	simm.s32 $0x1BF5;
	[smem:$0x3FB6] =	sst s0  }
0x18: {  	s0 =	sld [smem:$0x3F99];
	_ =	swait.ge [sflag:s4], $0x0  }
0x19: {  	s7 =	sld [smem:$0x3F9A]  }
0x1a: {  	s8 =	sadd.s32 $0xFFFFE003, lr  }
0x1b: {  	s9 =	sadd.s32 $0xFFFFFEF7, lr;
	s5 =	simm.s32 $0xFFFFFFFF;
	p2 =	slt.u32 s8, $0xFFFFF086  }
0x1c: {  	p1 =	slt.u32 s9, $0xF7A;
	s5 =	simm.s32 @!p2 $0x0  }
0x1d: {  	s5 =	simm.s32 @p1 $0x1;
	p0 =	seq.s32 s7, s2  }
0x1e: {  	s7 =	smul.u32 @!p0 $0xF7A, s2;
	p2 =	seq.s32 @!p0 s5, $0x0  }
0x1f: {  	s9 =	smul.u32 $0xF7A, s1;
	s8 =	simm.s32 @!p0 $0x1BF5;
	p2 =	por !p2, p0  }
0x20: {  	[sflag:s8] =	ssyncset.s32 @!p0 $0xFFFFF086;
	s6 =	sadd.s32 @!p0 s3, s7;
	s7 =	simm.s32 @!p0 $0x108  }
0x21: {  	s3 =	sadd.s32 s3, s9;
	s6 =	sadd.s32 @!p0 $0x88, s6;
	s7 =	simm.s32 @p2 $0x1082  }
0x22: {  	[simem:s7], [sflag:s8] =	dma.local @!p0 [hbm:s6], $0xF7A  }
0x23: {  	s9 =	sor.u32 $0xD0000000, s2;
	s6 =	simm.s32 $0x108;
	_ =	swait.ge @!p0 [sflag:s8], $0x0  }
0x24: {  	s3 =	sadd.s32 $0x88, s3;
	s6 =	simm.s32 @!p1 $0x1082;
	[sflag:s4] =	ssyncset.s32 $0xFFFFF086  }
0x25: {  	[simem:s6], [sflag:s4] =	dma.local [hbm:s3], $0xF7A  }
0x26: {  	[smem:$0x3F9A] =	sst s1;
	(tag) =	ssettag s2;
	_ =	strace s9  }
0x27: {  	s1 =	sld [smem:$0x3FAA]  }
0x28: {  	s2 =	sld [smem:$0x3FAB]  }
0x29: {  	s4 =	sld [smem:$0x3FAD]  }
0x2a: {  	p0 =	seq.s32 s5, $0x0;
	s5 =	sld [smem:$0x3FAE]  }
0x2b: {  	s6 =	sld [smem:$0x3FAF]  }
0x2c: {  	s7 =	sld [smem:$0x3FB0]  }
0x2d: {  	s3 =	simm.s32 $0x108;
	s8 =	sld [smem:$0x3FB1]  }
0x2e: {  	s3 =	simm.s32 @!p0 $0x1082;
	s9 =	sld [smem:$0x3FB2]  }
0x2f: {  	lr =	sadd.s32 s0, s3;
	s0 =	sld [smem:$0x3FA9]  }
0x30: {  	s3 =	sld [smem:$0x3FAC]  }
0x31: {  	[smem:$0x3FB5] =	sst s10  }
0x32: {  	s10 =	sld [smem:$0x3FB3];
	_ =	sdelay $0x3  }
0x33: {  	p0 =	seq.s32 s10, $0x1;
	s10 =	sld [smem:$0x3FB5];
	_ =	sdelay $0x3  }
0x34: {  	[smem:$0x3FB5] =	sst s10  }
0x35: {  	s10 =	sld [smem:$0x3FB4];
	_ =	sdelay $0x3  }
0x36: {  	p1 =	seq.s32 s10, $0x1;
	s10 =	sld [smem:$0x3FB5];
	_ =	sdelay $0x3  }
0x37: {  	[smem:$0x3FB5] =	sst s10  }
0x38: {  	s10 =	sld [smem:$0x3FB6]  }
0x39: {  	_ = 	snop;
	(pc) =	sbr.ind lr, $3  }
0x3a: {  	_ = 	snop  }
0x3b: {  	_ = 	snop  }
0x3c: {  	p2 =	seq.s32 s10, $0x1;
	s10 =	sld [smem:$0x3FB5]  }
0x3d: {  	_ =	shalt  }
0x3e: {  	_ =	shalt  }
0x3f: {  	_ =	shalt  }
0x40: {  	_ =	shalt  }
0x41: {  	_ =	shalt  }
0x42: {  	_ =	shalt  }
0x43: {  	_ =	shalt  }
0x44: {  	_ =	shalt  }
0x45: {  	_ =	shalt  }
0x46: {  	_ =	shalt  }
0x47: {  	_ =	shalt  }
0x48: {  	_ =	shalt  }
0x49: {  	_ =	shalt  }
0x4a: {  	_ =	shalt  }
0x4b: {  	_ =	shalt  }
0x4c: {  	_ =	shalt  }
0x4d: {  	_ =	shalt  }
0x4e: {  	_ =	shalt  }
0x4f: {  	_ =	shalt  }
0x50: {  	_ =	shalt  }
0x51: {  	_ =	shalt  }
0x52: {  	_ =	shalt  }
0x53: {  	_ =	shalt  }
0x54: {  	_ =	shalt  }
0x55: {  	_ =	shalt  }
0x56: {  	_ =	shalt  }
0x57: {  	_ =	shalt  }
0x58: {  	_ =	shalt  }
0x59: {  	_ =	shalt  }
0x5a: {  	_ =	shalt  }
0x5b: {  	_ =	shalt  }
0x5c: {  	_ =	shalt  }
0x5d: {  	_ =	shalt  }
0x5e: {  	_ =	shalt  }
0x5f: {  	_ =	shalt  }
0x60: {  	_ =	shalt  }
0x61: {  	_ =	shalt  }
0x62: {  	_ =	shalt  }
0x63: {  	_ =	shalt  }
0x64: {  	_ =	shalt  }
0x65: {  	_ =	shalt  }
0x66: {  	_ =	shalt  }
0x67: {  	_ =	shalt  }
0x68: {  	_ =	shalt  }
0x69: {  	_ =	shalt  }
0x6a: {  	_ =	shalt  }
0x6b: {  	_ =	shalt  }
0x6c: {  	_ =	shalt  }
0x6d: {  	_ =	shalt  }
0x6e: {  	_ =	shalt  }
0x6f: {  	_ =	shalt  }
0x70: {  	_ =	shalt  }
0x71: {  	_ =	shalt  }
0x72: {  	_ =	shalt  }
0x73: {  	_ =	shalt  }
0x74: {  	_ =	shalt  }
0x75: {  	_ =	shalt  }
0x76: {  	_ =	shalt  }
0x77: {  	_ =	shalt  }
0x78: {  	_ =	shalt  }
0x79: {  	_ =	shalt  }
0x7a: {  	_ =	shalt  }
0x7b: {  	_ =	shalt  }
0x7c: {  	_ =	shalt  }
0x7d: {  	_ =	shalt  }
0x7e: {  	_ =	shalt  }
0x7f: {  	_ =	shalt  }
0x80: {  	_ =	shalt  }
0x81: {  	_ =	shalt  }
0x82: {  	_ =	shalt  }
0x83: {  	_ =	shalt  }
0x84: {  	_ =	shalt  }
0x85: {  	_ =	shalt  }
0x86: {  	_ =	shalt  }
0x87: {  	_ =	shalt  }
.Lfunc_end0:
.L_simem_size_0:
called_computation_lowered:
.L_overlay_start_0:
0x88: {  	s2 =	sld [smem:$0x3FD9]  }
0x89: {  	s3 =	sld [smem:$0x3FFE];
	_ =	sdelay $0x1  }
0x8a: {  	s1 =	srdreg.scid  }
0x8b: {  	s0 =	sand.u32 $0x1, s1  }
0x8c: {  	s17 =	sshll.u32 s0, $0xA;
	s2 =	sadd.s32 s3, s2  }
0x8d: {  	s2 =	sadd.s32 s2, s17  }
0x8e: {  	[smem:$0x3FC1] =	sst s2  }
0x8f: {  	_ = 	snop  }
0x90: {  	s2 =	sld [smem:$0x3FC4];
	(tm) =	ssettm $0x1  }
0x91: {  	s18 =	sld [smem:$0x3FFB];
	_ =	sdelay $0x3  }
0x92: {  	_ =	strace s18  }
0x93: {  	s3 =	sld [smem:$0x3FFC];
	_ =	sdelay $0x3  }
0x94: {  	_ =	strace s3  }
0x95: {  	s3 =	sld [smem:$0x3FFD];
	_ =	sdelay $0x3  }
0x96: {  	_ =	strace s3  }
0x97: {  	_ =	strace $0x8FFFFFFF  }
0x98: {  	s19 =	sld [smem:$0x3FDB];
	_ =	sdelay $0x1  }
0x99: {  	s4 =	simm.s32 $_scs_section_size  }
0x9a: {  	s5 =	simm.s32 $_size__tile_overlayer_lowered;
	s6 =	simm.s32 $_tile_overlayer_lowered  }
0x9b: {  	s22 =	simm.s32 $0x1BFF;
	s21 =	sshll.u32 s6, $0x1;
	s3 =	sadd.s32 s4, s19  }
0x9c: {  	s7 =	simm.s32 $0x0;
	s20 =	sshll.u32 s5, $0x1;
	s5 =	sadd.s32 s21, s3  }
0x9d: {  	[timem:s7], [sflag:s22] =	dma.local [hbm:s5], s20  }
0x9e: {  	_ =	swait.ge [sflag:s22], s20  }
0x9f: {  	s4 =	ssub.s32 $0x0, s20;
	[sflag:s22] =	ssyncset.done $0x0  }
0xa0: {  	[sflag:s22] =	ssyncadd.s32 s4;
	_ =	sdelay $0x1  }
0xa1: {  	s23 =	simm.s32 $0x1B8B  }
0xa2: {  	_ =	swait.ge [sflag:s23], $0x1  }
0xa3: {  	[sflag:s23] =	ssyncset.done $0x0  }
0xa4: {  	s25 =	simm.s32 $0x1B8E;
	s24 =	sld [smem:$0x3FFE];
	[sflag:s23] =	ssyncadd.s32 $0xFFFFFFFF  }
0xa5: {  	s26 =	simm.s32 $execute0_lowered;
	[smem:$0x3FD2] =	sst s25  }
0xa6: {  	s5 =	sshll.u32 s26, $0x1;
	_ =	strace $0x80000046;
	[dreg:$0x1] =	wrdreg $0xFFFFFFFF  }
0xa7: {  	s28 =	simm.s32 $_size_execute0_lowered;
	s3 =	sadd.s32 s3, s5;
	[dreg:$0x0] =	wrdreg $0x0  }
0xa8: {  	s5 =	sshll.u32 s28, $0x1;
	[dreg:$0x2] =	wrdreg s3  }
0xa9: {  	[dreg:$0x3] =	wrdreg s5  }
0xaa: {  	[dreg:$0x4] =	wrdreg $0xC0  }
0xab: {  	_ =	task [dreg:s7], $0x5FFFF  }
0xac: {  	[dreg:$0x1] =	wrdreg $0xFFFFFFFF  }
0xad: {  	[dreg:$0x0] =	wrdreg $0x60  }
0xae: {  	[dreg:$0x2] =	wrdreg s2  }
0xaf: {  	[dreg:$0x3] =	wrdreg s24  }
0xb0: {  	[dreg:$0x4] =	wrdreg $0x9  }
0xb1: {  	_ =	task.clear_ibuf [dreg:s7], $0x5FFFF;
	_ =	strace $0x90000046  }
0xb2: {  	s29 =	simm.s32 $0x9;
	_ =	strace $0x80000048  }
0xb3: {  	_ =	swait.ge [sflag:s29], $0x1  }
0xb4: {  	[sflag:s29] =	ssyncadd.s32 $0xFFFFFFFF  }
0xb5: {  	_ =	strace $0x90000048  }
0xb6: {  	_ =	sfence  }
0xb7: {  	s30 =	sld [smem:$0x0];
	_ =	sdelay $0x2  }
0xb8: {  	s31 =	sshll.u32 s1, $0xD;
	s1 =	sshrl.u32 s1, $0x2  }
0xb9: {  	s3 =	sand.u32 $0x4000, s31;
	s1 =	sadd.s32 s1, s30  }
0xba: {  	s0 =	sor.u32 s3, s0;
	s1 =	sshll.u32 s1, $0x11  }
0xbb: {  	s0 =	sor.u32 s1, s0  }
0xbc: {  	s0 =	sadd.s32 $0x8F2B, s0  }
0xbd: {  	[sflag:s0] =	ssyncadd.remote.s32 $0x1  }
0xbe: {  	_ =	sfence.sel $0xFFFF  }
0xbf: {  	[dreg:$0x0] =	wrdreg $0xFFFFFFFF;
	(pc) =	sbr.abs _section_cstart, $3  }
0xc0: {  	[dreg:$0x1] =	wrdreg $0xFFFFFFFF  }
0xc1: {  	_ =	task.clear_ibuf [dreg:s7], $0x2FFFF;
	_ =	strace $0x9FFFFFFF  }
0xc2: {  	(tm) =	ssettm $0x7FFFFFFF  }
0xc3: {  	_ =	shalt  }
tec
execute0_lowered:
.L_overlay_start_1:
0x0: {  	(tag) =	ssettag $0x1  }
0x1: {  	s1 =	srdreg.scid;
	s0 =	stileid.u32  }
0x2: {  	s12 =	sand.u32 $0x1, s1;
	s29 =	sshll.u32 s0, $0x1  }
0x3: {  	s2 =	rddreg [dreg:$0x0];
	s13 =	sor.u32 s12, s29  }
0x4: {  	s14 =	rddreg [dreg:$0x1];
	s4 =	smul.u32 $0x30, s13  }
0x5: {  	s3 =	simm.s32 $0x0;
	s1 =	rddreg [dreg:$0x2]  }
0x6: {  	[smem:$0x7FF] =	sst s3;
	s4 =	sadd.s32 s4, s14  }
0x7: {  	_ =	strace $0x80000047;
	s5 =	sadd.s32 $0xC00, s4;
	s4 =	simm.s32 $0x2  }
0x8: {  	[tilespmem:s3], [sflag:$0x2] =	stream.linear.gather [hbm4b:s5+s3], $0x180, $0x38;
	[tilespmem:$0xC180] =	vst v63  }
0x9: {  	_ =	swait.ge [sflag:s4], $0x180  }
0xa: {  	[sflag:s4] =	ssyncset.done $0x0  }
0xb: {  	s6 =	simm.s32 $0x80;
	s7 =	simm.s32 $0x180;
	[sflag:s4] =	ssyncadd.s32 $0xFFFFFE80  }
0xc: {  	[tilespmem:s7], [sflag:$0x1] =	stream.indirect.gather [hbm4b:s2+s6], $0x80, s3, s6, $0xb8;
	[tilespmem:$0xC180] =	vst v63  }
0xd: {  	s8 =	simm.s32 $0x4180  }
0xe: {  	[tilespmem:s8], [sflag:$0x1] =	stream.indirect.gather [hbm4b:s2+s6], $0x80, s6, s6, $0xb8;
	[tilespmem:$0xC180] =	vst v63  }
0xf: {  	s9 =	simm.s32 $0x100;
	s10 =	simm.s32 $0x8180;
	s11 =	simm.s32 $0x1  }
0x10: {  	[tilespmem:s10], [sflag:$0x1] =	stream.indirect.gather [hbm4b:s2+s6], $0x80, s9, s6, $0xb8;
	[tilespmem:$0xC180] =	vst v63  }
0x11: {  	_ =	swait.ge [sflag:s11], $0x4000  }
0x12: {  	[sflag:s11] =	ssyncset.done $0x0  }
0x13: {  	s12 =	ssub.s32 $0x2, s12;
	[sflag:s11] =	ssyncadd.s32 $0xFFFFC000  }
0x14: {  	s15 =	sshrl.u32 s12, $0x1;
	_ =	swait.ge [sflag:s11], $0x4000  }
0x15: {  	s30 =	ssub.s32 s12, s15;
	[sflag:s11] =	ssyncset.done $0x0  }
0x16: {  	s13 =	smul.u32 $0x1800, s13;
	s31 =	smax.u32 s30, $0x1;
	[sflag:s11] =	ssyncadd.s32 $0xFFFFC000  }
0x17: {  	p0 =	sne.s32 s31, $0x1;
	_ =	swait.ge [sflag:s11], $0x4000  }
.Ltmp0:
0x18: {  	s13 =	sadd.s32 s13, s14;
	[sflag:s11] =	ssyncset.done $0x0;
	(pc) =	sbr.rel @!p0 .LBB2_2-.Ltmp0, $4  }
0x19: {  	s12 =	sadd.s32 $0x1200, s13;
	[sflag:s11] =	ssyncadd.s32 $0xFFFFC000  }
0x1a: {  	[hbm4b:s12+s3] =	stream.linear.scatter [tilespmem:s7], [sflag:$0x2], $0xC000, $0x38;
	[tilespmem:$0xC180] =	vst v63  }
0x1b: {  	_ =	swait.ge [sflag:s4], $0xC000  }
0x1c: {  	s13 =	sadd.s32 $0xFFFFFFFF, s31;
	[sflag:s4] =	ssyncset.done $0x0  }
.LBB2_1:
0x1d: {  	p0 =	sne.s32 s13, $0x1;
	s13 =	sadd.s32 $0xFFFFFFFF, s13;
	[sflag:s4] =	ssyncadd.s32 $0xFFFF4000  }
0x1e: {  	[tilespmem:s3], [sflag:$0x2] =	stream.linear.gather [hbm4b:s5+s3], $0x180, $0x38;
	[tilespmem:$0xC180] =	vst v63  }
0x1f: {  	_ =	swait.ge [sflag:s4], $0x180  }
0x20: {  	[sflag:s4] =	ssyncset.done $0x0  }
0x21: {  	[sflag:s4] =	ssyncadd.s32 $0xFFFFFE80  }
0x22: {  	[tilespmem:s7], [sflag:$0x1] =	stream.indirect.gather [hbm4b:s2+s6], $0x80, s3, s6, $0xb8;
	[tilespmem:$0xC180] =	vst v63  }
0x23: {  	_ = 	snop  }
0x24: {  	[tilespmem:s8], [sflag:$0x1] =	stream.indirect.gather [hbm4b:s2+s6], $0x80, s6, s6, $0xb8;
	[tilespmem:$0xC180] =	vst v63  }
0x25: {  	_ = 	snop  }
0x26: {  	[tilespmem:s10], [sflag:$0x1] =	stream.indirect.gather [hbm4b:s2+s6], $0x80, s9, s6, $0xb8;
	[tilespmem:$0xC180] =	vst v63  }
0x27: {  	_ =	swait.ge [sflag:s11], $0x4000  }
0x28: {  	[sflag:s11] =	ssyncset.done $0x0  }
0x29: {  	[sflag:s11] =	ssyncadd.s32 $0xFFFFC000  }
0x2a: {  	_ =	swait.ge [sflag:s11], $0x4000  }
0x2b: {  	[sflag:s11] =	ssyncset.done $0x0  }
0x2c: {  	[sflag:s11] =	ssyncadd.s32 $0xFFFFC000  }
0x2d: {  	_ =	swait.ge [sflag:s11], $0x4000  }
.Ltmp1:
0x2e: {  	[sflag:s11] =	ssyncset.done $0x0;
	(pc) =	sbr.rel @p0 .LBB2_1-.Ltmp1, $4  }
0x2f: {  	[sflag:s11] =	ssyncadd.s32 $0xFFFFC000  }
0x30: {  	[hbm4b:s12+s3] =	stream.linear.scatter [tilespmem:s7], [sflag:$0x2], $0xC000, $0x38;
	[tilespmem:$0xC180] =	vst v63  }
0x31: {  	_ =	swait.ge [sflag:s4], $0xC000  }
0x32: {  	[sflag:s4] =	ssyncset.done $0x0  }
.LBB2_2:
0x33: {  	[sflag:s4] =	ssyncadd.s32 $0xFFFF4000  }
0x34: {  	_ =	sfence.sel $0x180000  }
0x35: {  	[bflag:$0x0] =	sbarrier.arrive $0xFFFF  }
0x36: {  	p0 =	sne.s32 s0, $0x0;
	_ =	strace $0x90000047  }
0x37: {  	s0 =	sadd.s32 @!p0 $0x100000, s1;
	[bflag:$0x2] =	sbarrier.arrive $0xFFFF  }
0x38: {  	[sflag:s0] =	ssyncadd.tile.s32 @!p0 $0x1;
	_ =	shalt  }
.Lfunc_end2:
_tile_overlayer_lowered:
.L_overlay_start_2:
0x39: {  	(tag) =	ssettag $0x2  }
0x3a: {  	s0 =	rddreg [dreg:$0x0];
	s2 =	stileid.u32  }
0x3b: {  	s1 =	rddreg [dreg:$0x1];
	p0 =	sne.s32 s2, $0x0  }
0x3c: {  	s3 =	rddreg [dreg:$0x2];
	[bflag:$0x3] =	sbarrier.arrive $0xFFFF;
	s2 =	simm.s32 @!p0 $0x1C02  }
0x3d: {  	[timem:s3], [sflag:s2] =	dma.local @!p0 [hbm:s0], s1  }
0x3e: {  	s0 =	simm.s32 @!p0 $0x2  }
0x3f: {  	_ =	swait.ge @!p0 [sflag:s0], s1  }
0x40: {  	s1 =	ssub.s32 @!p0 $0x0, s1;
	[sflag:s0] =	ssyncset.done @!p0 $0x0  }
0x41: {  	[sflag:s0] =	ssyncadd.s32 @!p0 s1  }
0x42: {  	[bflag:$0x3] =	sbarrier.arrive $0xFFFF  }
0x43: {  	_ =	shalt  }

</sc_bundles>
